<compile_context>
chip_gen: v7x
topology: tpu7x:2x2x1
jax: 0.10.2.dev20260603
libtpu: 0.0.44.dev20260713+nightly
codegen_flags: <defaults>
</compile_context>

<pallas_src>
import functools
import math

import jax
import jax.numpy as jnp
import numpy as np
from jax.experimental import pallas as pl
from jax.experimental.pallas import tpu as pltpu

_N = 4096
_T = 64
_D = 128
_TD = _T * _D
_NG = 8
_NE = 16
_NH = 8
_HD = _NE // _NH
_H = _NG * _NE
_B = 256

_INV_SQRT_HD = 1.0 / math.sqrt(_HD)


def _sel_matrices():
    m = np.arange(_H // 2)
    sel0 = np.zeros((_H, _H // 2), np.float32)
    sel1 = np.zeros((_H, _H // 2), np.float32)
    sel0[2 * m, m] = 1.0
    sel1[2 * m + 1, m] = 1.0
    g = m // _NH
    gg = (g[:, None] == g[None, :]).astype(np.float32)
    return sel0, sel1, sel0.T.copy(), sel1.T.copy(), gg


_SEL0, _SEL1, _SEL0T, _SEL1T, _GG = _sel_matrices()


def _fused_body(x_ref, wrt_ref, br_ref, wet_ref, bef_ref,
                wqbd_ref, bqf_ref, wkbd_ref, bkf_ref, wvbd_ref, bvf_ref,
                wobd_ref, bof_ref,
                sel0_ref, sel1_ref, sel0t_ref, sel1t_ref, gg_ref,
                pred_ref, rw_ref, h_ref, idx_ref):
    f32 = jnp.float32
    x = x_ref[...]
    h = jnp.dot(x, wrt_ref[...], preferred_element_type=f32) + br_ref[...]

    iota = jax.lax.broadcasted_iota(jnp.int32, (_B, _H), 1)
    tv1 = jnp.max(h, axis=1, keepdims=True)
    ti1 = jnp.min(jnp.where(h == tv1, iota, _H), axis=1, keepdims=True)
    m1 = iota == ti1
    h2 = jnp.where(m1, -jnp.inf, h)
    tv2 = jnp.max(h2, axis=1, keepdims=True)
    ti2 = jnp.min(jnp.where(h2 == tv2, iota, _H), axis=1, keepdims=True)
    m2 = iota == ti2
    e2 = jnp.exp(tv2 - tv1)
    denom = 1.0 + e2
    rw = jnp.where(m1, 1.0 / denom, 0.0) + jnp.where(m2, e2 / denom, 0.0)

    go = jnp.dot(h, wet_ref[...], preferred_element_type=f32) + bef_ref[...]

    q = jnp.dot(go, wqbd_ref[...], preferred_element_type=f32) + bqf_ref[...]
    k = jnp.dot(go, wkbd_ref[...], preferred_element_type=f32) + bkf_ref[...]
    v = jnp.dot(go, wvbd_ref[...], preferred_element_type=f32) + bvf_ref[...]

    sel0 = sel0_ref[...]
    sel1 = sel1_ref[...]
    q0 = jnp.dot(q, sel0, preferred_element_type=f32)
    q1 = jnp.dot(q, sel1, preferred_element_type=f32)
    k0 = jnp.dot(k, sel0, preferred_element_type=f32)
    k1 = jnp.dot(k, sel1, preferred_element_type=f32)
    v0 = jnp.dot(v, sel0, preferred_element_type=f32)
    v1 = jnp.dot(v, sel1, preferred_element_type=f32)

    gg = gg_ref[...]
    s00 = jnp.dot(q0 * k0, gg, preferred_element_type=f32) * _INV_SQRT_HD
    s01 = jnp.dot(q0 * k1, gg, preferred_element_type=f32) * _INV_SQRT_HD
    s10 = jnp.dot(q1 * k0, gg, preferred_element_type=f32) * _INV_SQRT_HD
    s11 = jnp.dot(q1 * k1, gg, preferred_element_type=f32) * _INV_SQRT_HD

    mx0 = jnp.maximum(s00, s01)
    e00 = jnp.exp(s00 - mx0)
    e01 = jnp.exp(s01 - mx0)
    d0 = e00 + e01
    mx1 = jnp.maximum(s10, s11)
    e10 = jnp.exp(s10 - mx1)
    e11 = jnp.exp(s11 - mx1)
    d1 = e10 + e11

    av0 = (e00 / d0) * v0 + (e01 / d0) * v1
    av1 = (e10 / d1) * v0 + (e11 / d1) * v1
    attn = (jnp.dot(av0, sel0t_ref[...], preferred_element_type=f32)
            + jnp.dot(av1, sel1t_ref[...], preferred_element_type=f32))
    out = jnp.dot(attn, wobd_ref[...], preferred_element_type=f32) + bof_ref[...]

    pred_ref[...] = jnp.sum(out * rw, axis=1)
    rw_ref[...] = rw
    h_ref[...] = h
    idx_ref[...] = jnp.concatenate([ti1, ti2], axis=1)


def _block_diag(w):
    eye = np.eye(_NG, dtype=np.float32)
    return jnp.einsum('gG,gkj->gkGj', eye, w.transpose(0, 2, 1)).reshape(_H, _H)


@jax.jit
def kernel(x, Wr, br, We, be, Wq, bq, Wk, bk, Wv, bv, Wo, bo):
    xf = x.reshape(_N, _TD)
    wrt = Wr.T
    wet = We.reshape(_H, _H).T
    args = (
        xf, wrt, br.reshape(1, _H), wet, be.reshape(1, _H),
        _block_diag(Wq), bq.reshape(1, _H),
        _block_diag(Wk), bk.reshape(1, _H),
        _block_diag(Wv), bv.reshape(1, _H),
        _block_diag(Wo), bo.reshape(1, _H),
        jnp.asarray(_SEL0), jnp.asarray(_SEL1),
        jnp.asarray(_SEL0T), jnp.asarray(_SEL1T), jnp.asarray(_GG),
    )
    full2 = lambda shape: pl.BlockSpec(shape, lambda i: (0, 0))
    in_specs = [
        pl.BlockSpec((_B, _TD), lambda i: (i, 0)),
        full2((_TD, _H)), full2((1, _H)), full2((_H, _H)), full2((1, _H)),
        full2((_H, _H)), full2((1, _H)),
        full2((_H, _H)), full2((1, _H)),
        full2((_H, _H)), full2((1, _H)),
        full2((_H, _H)), full2((1, _H)),
        full2((_H, _H // 2)), full2((_H, _H // 2)),
        full2((_H // 2, _H)), full2((_H // 2, _H)),
        full2((_H // 2, _H // 2)),
    ]
    out_shape = [
        jax.ShapeDtypeStruct((_N,), jnp.float32),
        jax.ShapeDtypeStruct((_N, _H), jnp.float32),
        jax.ShapeDtypeStruct((_N, _H), jnp.float32),
        jax.ShapeDtypeStruct((_N, 2), jnp.int32),
    ]
    out_specs = [
        pl.BlockSpec((_B,), lambda i: (i,)),
        pl.BlockSpec((_B, _H), lambda i: (i, 0)),
        pl.BlockSpec((_B, _H), lambda i: (i, 0)),
        pl.BlockSpec((_B, 2), lambda i: (i, 0)),
    ]
    pred, rw, h, idx = pl.pallas_call(
        _fused_body,
        grid=(_N // _B,),
        in_specs=in_specs,
        out_specs=out_specs,
        out_shape=out_shape,
        compiler_params=pltpu.CompilerParams(
            dimension_semantics=("parallel",),
        ),
    )(*args)
    return (pred, rw, h, idx, rw)

# --- scband reference (transcript-rebuilt; emitter-appended) ---
"""Pipeline reference for scband-migamodel-37237366456667 (READ-ONLY COPY).

The authoritative reference and input builder live on the scoring server;
editing this copy changes nothing except your own understanding.
"""

import jax, jax.numpy as jnp
import numpy as np
import math

N = 4096; T = 64; D = 128
NG = 8; NE = 16; NH = 8; HD = NE // NH; H = NG * NE; TOPK = 2


def setup_inputs(seed: int = 0) -> dict:
    key = jax.random.key(seed)
    ks = jax.random.split(key, 16)
    x = jax.random.normal(ks[0], (N, T, D), dtype=jnp.float32)
    # router: flatten [N,T,D] -> [N, T*D] then Linear(T*D, H) (torch convention W:[out,in])
    Wr = jax.random.normal(ks[1], (H, T * D), dtype=jnp.float32) * 0.01
    br = jnp.zeros((H,), dtype=jnp.float32)
    # experts: per group NG, per expert NE, Linear(H, 1) -> stacked as [NG, NE, H]
    We = jax.random.normal(ks[2], (NG, NE, H), dtype=jnp.float32) * 0.05
    be = jax.random.normal(ks[3], (NG, NE), dtype=jnp.float32) * 0.01
    # inner-group attention linears, each Linear(NE, NE), per group
    Wq = jax.random.normal(ks[4], (NG, NE, NE), dtype=jnp.float32) * 0.1
    bq = jnp.zeros((NG, NE), dtype=jnp.float32)
    Wk = jax.random.normal(ks[5], (NG, NE, NE), dtype=jnp.float32) * 0.1
    bk = jnp.zeros((NG, NE), dtype=jnp.float32)
    Wv = jax.random.normal(ks[6], (NG, NE, NE), dtype=jnp.float32) * 0.1
    bv = jnp.zeros((NG, NE), dtype=jnp.float32)
    Wo = jax.random.normal(ks[7], (NG, NE, NE), dtype=jnp.float32) * 0.1
    bo = jnp.zeros((NG, NE), dtype=jnp.float32)
    return {"x": x, "Wr": Wr, "br": br, "We": We, "be": be,
            "Wq": Wq, "bq": bq, "Wk": Wk, "bk": bk,
            "Wv": Wv, "bv": bv, "Wo": Wo, "bo": bo}


def _inner_group_attention(xg, wq, bq_, wk, bk_, wv, bv_, wo, bo_):
    n = xg.shape[0]
    Q = xg @ wq.T + bq_
    K = xg @ wk.T + bk_
    V = xg @ wv.T + bv_
    # faithful to the torch code's (unusual) transpose: [N, NH, HD] -> [N, HD, NH]
    Qh = Q.reshape(n, NH, HD).transpose(0, 2, 1)
    Kh = K.reshape(n, NH, HD).transpose(0, 2, 1)
    Vh = V.reshape(n, NH, HD).transpose(0, 2, 1)
    scores = jnp.matmul(Qh, jnp.swapaxes(Kh, -2, -1)) / math.sqrt(HD)
    aw = jax.nn.softmax(scores, axis=-1)
    av = jnp.matmul(aw, Vh)
    av = av.transpose(0, 2, 1).reshape(n, NE)
    return av @ wo.T + bo_


def reference(x, Wr, br, We, be, Wq, bq, Wk, bk, Wv, bv, Wo, bo):
    n = x.shape[0]
    # router: flatten + linear -> hidden representations [N, H]
    h = x.reshape(n, -1) @ Wr.T + br
    # top-k routing over the H expert slots
    top_k_values, top_k_indices = jax.lax.top_k(h, TOPK)
    mask = jnp.zeros_like(h).at[jnp.arange(n)[:, None], top_k_indices].set(1.0)
    masked_hidden = jnp.where(mask == 0, -jnp.inf, h)
    routing_weights_flat = jax.nn.softmax(masked_hidden, axis=1)
    routing_weights = routing_weights_flat  # view(N,NG,NE).view(N,-1) is identity
    all_group_outputs = []
    for g in range(NG):
        # all NE experts of this group: Linear(H,1) each, stacked -> [N, NE]
        group_output = h @ We[g].T + be[g]
        aggregated = _inner_group_attention(group_output, Wq[g], bq[g], Wk[g], bk[g], Wv[g], bv[g], Wo[g], bo[g])
        all_group_outputs.append(aggregated)
    all_outputs = jnp.concatenate(all_group_outputs, axis=1)  # [N, H]
    weighted_outputs = all_outputs * routing_weights
    predictions = jnp.sum(weighted_outputs, axis=1)
    return (predictions, routing_weights, h, top_k_indices, routing_weights_flat)

if __name__ == "__main__":
    import jax
    _d = setup_inputs()
    print(jax.jit(kernel)(*tuple(_d.values())))

</pallas_src>

<mosaic_0001>
module attributes {stable_mosaic.version = 14 : i64} {
  func.func @_fused_body(%arg0: i32, %arg1: memref<256x8192xf32, #tpu.memory_space<vmem>>, %arg2: memref<8192x128xf32, #tpu.memory_space<vmem>>, %arg3: memref<1x128xf32, #tpu.memory_space<vmem>>, %arg4: memref<128x128xf32, #tpu.memory_space<vmem>>, %arg5: memref<1x128xf32, #tpu.memory_space<vmem>>, %arg6: memref<128x128xf32, #tpu.memory_space<vmem>>, %arg7: memref<1x128xf32, #tpu.memory_space<vmem>>, %arg8: memref<128x128xf32, #tpu.memory_space<vmem>>, %arg9: memref<1x128xf32, #tpu.memory_space<vmem>>, %arg10: memref<128x128xf32, #tpu.memory_space<vmem>>, %arg11: memref<1x128xf32, #tpu.memory_space<vmem>>, %arg12: memref<128x128xf32, #tpu.memory_space<vmem>>, %arg13: memref<1x128xf32, #tpu.memory_space<vmem>>, %arg14: memref<128x64xf32, #tpu.memory_space<vmem>>, %arg15: memref<128x64xf32, #tpu.memory_space<vmem>>, %arg16: memref<64x128xf32, #tpu.memory_space<vmem>>, %arg17: memref<64x128xf32, #tpu.memory_space<vmem>>, %arg18: memref<64x64xf32, #tpu.memory_space<vmem>>, %arg19: memref<256xf32, #tpu.memory_space<vmem>>, %arg20: memref<256x128xf32, #tpu.memory_space<vmem>>, %arg21: memref<256x128xf32, #tpu.memory_space<vmem>>, %arg22: memref<256x2xi32, #tpu.memory_space<vmem>>) attributes {dimension_semantics = [#tpu.dimension_semantics<parallel>], iteration_bounds = array<i64: 16>, scalar_prefetch = 0 : i64, scratch_operands = 0 : i64, tpu.core_type = #tpu.core_type<tc>, window_params = [{transform_indices = @transform_0, window_bounds = array<i64: 256, 8192>}, {pipeline_mode = #tpu.pipeline_mode<synchronous>, transform_indices = @transform_1, window_bounds = array<i64: 8192, 128>}, {pipeline_mode = #tpu.pipeline_mode<synchronous>, transform_indices = @transform_2, window_bounds = array<i64: 1, 128>}, {pipeline_mode = #tpu.pipeline_mode<synchronous>, transform_indices = @transform_3, window_bounds = array<i64: 128, 128>}, {pipeline_mode = #tpu.pipeline_mode<synchronous>, transform_indices = @transform_4, window_bounds = array<i64: 1, 128>}, {pipeline_mode = #tpu.pipeline_mode<synchronous>, transform_indices = @transform_5, window_bounds = array<i64: 128, 128>}, {pipeline_mode = #tpu.pipeline_mode<synchronous>, transform_indices = @transform_6, window_bounds = array<i64: 1, 128>}, {pipeline_mode = #tpu.pipeline_mode<synchronous>, transform_indices = @transform_7, window_bounds = array<i64: 128, 128>}, {pipeline_mode = #tpu.pipeline_mode<synchronous>, transform_indices = @transform_8, window_bounds = array<i64: 1, 128>}, {pipeline_mode = #tpu.pipeline_mode<synchronous>, transform_indices = @transform_9, window_bounds = array<i64: 128, 128>}, {pipeline_mode = #tpu.pipeline_mode<synchronous>, transform_indices = @transform_10, window_bounds = array<i64: 1, 128>}, {pipeline_mode = #tpu.pipeline_mode<synchronous>, transform_indices = @transform_11, window_bounds = array<i64: 128, 128>}, {pipeline_mode = #tpu.pipeline_mode<synchronous>, transform_indices = @transform_12, window_bounds = array<i64: 1, 128>}, {pipeline_mode = #tpu.pipeline_mode<synchronous>, transform_indices = @transform_13, window_bounds = array<i64: 128, 64>}, {pipeline_mode = #tpu.pipeline_mode<synchronous>, transform_indices = @transform_14, window_bounds = array<i64: 128, 64>}, {pipeline_mode = #tpu.pipeline_mode<synchronous>, transform_indices = @transform_15, window_bounds = array<i64: 64, 128>}, {pipeline_mode = #tpu.pipeline_mode<synchronous>, transform_indices = @transform_16, window_bounds = array<i64: 64, 128>}, {pipeline_mode = #tpu.pipeline_mode<synchronous>, transform_indices = @transform_17, window_bounds = array<i64: 64, 64>}, {transform_indices = @transform_18, window_bounds = array<i64: 256>}, {transform_indices = @transform_19, window_bounds = array<i64: 256, 128>}, {transform_indices = @transform_20, window_bounds = array<i64: 256, 128>}, {transform_indices = @transform_21, window_bounds = array<i64: 256, 2>}]} {
    %get3A = arith.constant 0 : index
    %get3A_0 = arith.constant 0 : index
    %get3A_1 = vector.load %arg1[%get3A, %get3A_0] : memref<256x8192xf32, #tpu.memory_space<vmem>>, vector<256x8192xf32>
    %get3A_2 = arith.constant 0 : index
    %get3A_3 = arith.constant 0 : index
    %get3A_4 = vector.load %arg2[%get3A_2, %get3A_3] : memref<8192x128xf32, #tpu.memory_space<vmem>>, vector<8192x128xf32>
    %dot_general3A = arith.constant dense<0.000000e+00> : vector<256x128xf32>
    %dot_general3A_5 = tpu.matmul %get3A_1, %get3A_4, %dot_general3A {dimension_numbers = #tpu.dot_dimension_numbers<[1], [0], [0], [1], [0, 0, 1, 1], [], []>, transpose_lhs_hint = false} : vector<256x8192xf32>, vector<8192x128xf32>, vector<256x128xf32> -> vector<256x128xf32>
    %get3A_6 = arith.constant 0 : index
    %get3A_7 = arith.constant 0 : index
    %get3A_8 = vector.load %arg3[%get3A_6, %get3A_7] : memref<1x128xf32, #tpu.memory_space<vmem>>, vector<1x128xf32>
    %add3A = vector.broadcast %get3A_8 : vector<1x128xf32> to vector<256x128xf32>
    %add3A_9 = arith.addf %dot_general3A_5, %add3A : vector<256x128xf32>
    %iota3A = tpu.iota {dimensions = array<i32: 1>} : vector<256x128xi32>
    %reduce_max3A = arith.constant dense<0xFF800000> : vector<256xf32>
    %reduce_max3A_10 = vector.multi_reduction <maximumf>, %add3A_9, %reduce_max3A [1] : vector<256x128xf32> to vector<256xf32>
    %broadcast_in_dim3A = vector.shape_cast %reduce_max3A_10 : vector<256xf32> to vector<256x1xf32>
    %eq3A = vector.broadcast %broadcast_in_dim3A : vector<256x1xf32> to vector<256x128xf32>
    %eq3A_11 = arith.cmpf oeq, %add3A_9, %eq3A : vector<256x128xf32>
    %jit3A = arith.constant 128 : i32
    %broadcast_in_dim3A_12 = vector.broadcast %jit3A : i32 to vector<256x128xi32>
    %select_n3A = arith.select %eq3A_11, %iota3A, %broadcast_in_dim3A_12 : vector<256x128xi1>, vector<256x128xi32>
    %reduce_min3A = arith.constant dense<2147483647> : vector<256xi32>
    %reduce_min3A_13 = vector.multi_reduction <minsi>, %select_n3A, %reduce_min3A [1] : vector<256x128xi32> to vector<256xi32>
    %broadcast_in_dim3A_14 = vector.shape_cast %reduce_min3A_13 : vector<256xi32> to vector<256x1xi32>
    %eq3A_15 = vector.broadcast %broadcast_in_dim3A_14 : vector<256x1xi32> to vector<256x128xi32>
    %eq3A_16 = arith.cmpi eq, %iota3A, %eq3A_15 : vector<256x128xi32>
    %jit3A_17 = arith.constant 0xFF800000 : f32
    %broadcast_in_dim3A_18 = vector.broadcast %jit3A_17 : f32 to vector<256x128xf32>
    %select_n3A_19 = arith.select %eq3A_16, %broadcast_in_dim3A_18, %add3A_9 : vector<256x128xi1>, vector<256x128xf32>
    %reduce_max3A_20 = arith.constant dense<0xFF800000> : vector<256xf32>
    %reduce_max3A_21 = vector.multi_reduction <maximumf>, %select_n3A_19, %reduce_max3A_20 [1] : vector<256x128xf32> to vector<256xf32>
    %broadcast_in_dim3A_22 = vector.shape_cast %reduce_max3A_21 : vector<256xf32> to vector<256x1xf32>
    %eq3A_23 = vector.broadcast %broadcast_in_dim3A_22 : vector<256x1xf32> to vector<256x128xf32>
    %eq3A_24 = arith.cmpf oeq, %select_n3A_19, %eq3A_23 : vector<256x128xf32>
    %jit3A_25 = arith.constant 128 : i32
    %broadcast_in_dim3A_26 = vector.broadcast %jit3A_25 : i32 to vector<256x128xi32>
    %select_n3A_27 = arith.select %eq3A_24, %iota3A, %broadcast_in_dim3A_26 : vector<256x128xi1>, vector<256x128xi32>
    %reduce_min3A_28 = arith.constant dense<2147483647> : vector<256xi32>
    %reduce_min3A_29 = vector.multi_reduction <minsi>, %select_n3A_27, %reduce_min3A_28 [1] : vector<256x128xi32> to vector<256xi32>
    %broadcast_in_dim3A_30 = vector.shape_cast %reduce_min3A_29 : vector<256xi32> to vector<256x1xi32>
    %eq3A_31 = vector.broadcast %broadcast_in_dim3A_30 : vector<256x1xi32> to vector<256x128xi32>
    %eq3A_32 = arith.cmpi eq, %iota3A, %eq3A_31 : vector<256x128xi32>
    %sub3A = arith.subf %broadcast_in_dim3A_22, %broadcast_in_dim3A : vector<256x1xf32>
    %exp3A = math.exp %sub3A : vector<256x1xf32>
    %add3A_33 = arith.constant 1.000000e+00 : f32
    %add3A_34 = vector.broadcast %add3A_33 : f32 to vector<256x1xf32>
    %add3A_35 = arith.addf %add3A_34, %exp3A : vector<256x1xf32>
    %div3A = arith.constant 1.000000e+00 : f32
    %div3A_36 = vector.broadcast %div3A : f32 to vector<256x1xf32>
    %div3A_37 = arith.divf %div3A_36, %add3A_35 : vector<256x1xf32>
    %jit3A_38 = arith.constant 0.000000e+00 : f32
    %broadcast_in_dim3A_39 = vector.shape_cast %div3A_37 : vector<256x1xf32> to vector<256x1xf32>
    %broadcast_in_dim3A_40 = vector.broadcast %broadcast_in_dim3A_39 : vector<256x1xf32> to vector<256x128xf32>
    %broadcast_in_dim3A_41 = vector.broadcast %jit3A_38 : f32 to vector<256x128xf32>
    %select_n3A_42 = arith.select %eq3A_16, %broadcast_in_dim3A_40, %broadcast_in_dim3A_41 : vector<256x128xi1>, vector<256x128xf32>
    %div3A_43 = arith.divf %exp3A, %add3A_35 : vector<256x1xf32>
    %jit3A_44 = arith.constant 0.000000e+00 : f32
    %broadcast_in_dim3A_45 = vector.shape_cast %div3A_43 : vector<256x1xf32> to vector<256x1xf32>
    %broadcast_in_dim3A_46 = vector.broadcast %broadcast_in_dim3A_45 : vector<256x1xf32> to vector<256x128xf32>
    %broadcast_in_dim3A_47 = vector.broadcast %jit3A_44 : f32 to vector<256x128xf32>
    %select_n3A_48 = arith.select %eq3A_32, %broadcast_in_dim3A_46, %broadcast_in_dim3A_47 : vector<256x128xi1>, vector<256x128xf32>
    %add3A_49 = arith.addf %select_n3A_42, %select_n3A_48 : vector<256x128xf32>
    %get3A_50 = arith.constant 0 : index
    %get3A_51 = arith.constant 0 : index
    %get3A_52 = vector.load %arg4[%get3A_50, %get3A_51] : memref<128x128xf32, #tpu.memory_space<vmem>>, vector<128x128xf32>
    %dot_general3A_53 = arith.constant dense<0.000000e+00> : vector<256x128xf32>
    %dot_general3A_54 = tpu.matmul %add3A_9, %get3A_52, %dot_general3A_53 {dimension_numbers = #tpu.dot_dimension_numbers<[1], [0], [0], [1], [0, 0, 1, 1], [], []>, transpose_lhs_hint = false} : vector<256x128xf32>, vector<128x128xf32>, vector<256x128xf32> -> vector<256x128xf32>
    %get3A_55 = arith.constant 0 : index
    %get3A_56 = arith.constant 0 : index
    %get3A_57 = vector.load %arg5[%get3A_55, %get3A_56] : memref<1x128xf32, #tpu.memory_space<vmem>>, vector<1x128xf32>
    %add3A_58 = vector.broadcast %get3A_57 : vector<1x128xf32> to vector<256x128xf32>
    %add3A_59 = arith.addf %dot_general3A_54, %add3A_58 : vector<256x128xf32>
    %get3A_60 = arith.constant 0 : index
    %get3A_61 = arith.constant 0 : index
    %get3A_62 = vector.load %arg6[%get3A_60, %get3A_61] : memref<128x128xf32, #tpu.memory_space<vmem>>, vector<128x128xf32>
    %dot_general3A_63 = arith.constant dense<0.000000e+00> : vector<256x128xf32>
    %dot_general3A_64 = tpu.matmul %add3A_59, %get3A_62, %dot_general3A_63 {dimension_numbers = #tpu.dot_dimension_numbers<[1], [0], [0], [1], [0, 0, 1, 1], [], []>, transpose_lhs_hint = false} : vector<256x128xf32>, vector<128x128xf32>, vector<256x128xf32> -> vector<256x128xf32>
    %get3A_65 = arith.constant 0 : index
    %get3A_66 = arith.constant 0 : index
    %get3A_67 = vector.load %arg7[%get3A_65, %get3A_66] : memref<1x128xf32, #tpu.memory_space<vmem>>, vector<1x128xf32>
    %add3A_68 = vector.broadcast %get3A_67 : vector<1x128xf32> to vector<256x128xf32>
    %add3A_69 = arith.addf %dot_general3A_64, %add3A_68 : vector<256x128xf32>
    %get3A_70 = arith.constant 0 : index
    %get3A_71 = arith.constant 0 : index
    %get3A_72 = vector.load %arg8[%get3A_70, %get3A_71] : memref<128x128xf32, #tpu.memory_space<vmem>>, vector<128x128xf32>
    %dot_general3A_73 = arith.constant dense<0.000000e+00> : vector<256x128xf32>
    %dot_general3A_74 = tpu.matmul %add3A_59, %get3A_72, %dot_general3A_73 {dimension_numbers = #tpu.dot_dimension_numbers<[1], [0], [0], [1], [0, 0, 1, 1], [], []>, transpose_lhs_hint = false} : vector<256x128xf32>, vector<128x128xf32>, vector<256x128xf32> -> vector<256x128xf32>
    %get3A_75 = arith.constant 0 : index
    %get3A_76 = arith.constant 0 : index
    %get3A_77 = vector.load %arg9[%get3A_75, %get3A_76] : memref<1x128xf32, #tpu.memory_space<vmem>>, vector<1x128xf32>
    %add3A_78 = vector.broadcast %get3A_77 : vector<1x128xf32> to vector<256x128xf32>
    %add3A_79 = arith.addf %dot_general3A_74, %add3A_78 : vector<256x128xf32>
    %get3A_80 = arith.constant 0 : index
    %get3A_81 = arith.constant 0 : index
    %get3A_82 = vector.load %arg10[%get3A_80, %get3A_81] : memref<128x128xf32, #tpu.memory_space<vmem>>, vector<128x128xf32>
    %dot_general3A_83 = arith.constant dense<0.000000e+00> : vector<256x128xf32>
    %dot_general3A_84 = tpu.matmul %add3A_59, %get3A_82, %dot_general3A_83 {dimension_numbers = #tpu.dot_dimension_numbers<[1], [0], [0], [1], [0, 0, 1, 1], [], []>, transpose_lhs_hint = false} : vector<256x128xf32>, vector<128x128xf32>, vector<256x128xf32> -> vector<256x128xf32>
    %get3A_85 = arith.constant 0 : index
    %get3A_86 = arith.constant 0 : index
    %get3A_87 = vector.load %arg11[%get3A_85, %get3A_86] : memref<1x128xf32, #tpu.memory_space<vmem>>, vector<1x128xf32>
    %add3A_88 = vector.broadcast %get3A_87 : vector<1x128xf32> to vector<256x128xf32>
    %add3A_89 = arith.addf %dot_general3A_84, %add3A_88 : vector<256x128xf32>
    %get3A_90 = arith.constant 0 : index
    %get3A_91 = arith.constant 0 : index
    %get3A_92 = vector.load %arg14[%get3A_90, %get3A_91] : memref<128x64xf32, #tpu.memory_space<vmem>>, vector<128x64xf32>
    %get3A_93 = arith.constant 0 : index
    %get3A_94 = arith.constant 0 : index
    %get3A_95 = vector.load %arg15[%get3A_93, %get3A_94] : memref<128x64xf32, #tpu.memory_space<vmem>>, vector<128x64xf32>
    %dot_general3A_96 = arith.constant dense<0.000000e+00> : vector<256x64xf32>
    %dot_general3A_97 = tpu.matmul %add3A_69, %get3A_92, %dot_general3A_96 {dimension_numbers = #tpu.dot_dimension_numbers<[1], [0], [0], [1], [0, 0, 1, 1], [], []>, transpose_lhs_hint = false} : vector<256x128xf32>, vector<128x64xf32>, vector<256x64xf32> -> vector<256x64xf32>
    %dot_general3A_98 = arith.constant dense<0.000000e+00> : vector<256x64xf32>
    %dot_general3A_99 = tpu.matmul %add3A_69, %get3A_95, %dot_general3A_98 {dimension_numbers = #tpu.dot_dimension_numbers<[1], [0], [0], [1], [0, 0, 1, 1], [], []>, transpose_lhs_hint = false} : vector<256x128xf32>, vector<128x64xf32>, vector<256x64xf32> -> vector<256x64xf32>
    %dot_general3A_100 = arith.constant dense<0.000000e+00> : vector<256x64xf32>
    %dot_general3A_101 = tpu.matmul %add3A_79, %get3A_92, %dot_general3A_100 {dimension_numbers = #tpu.dot_dimension_numbers<[1], [0], [0], [1], [0, 0, 1, 1], [], []>, transpose_lhs_hint = false} : vector<256x128xf32>, vector<128x64xf32>, vector<256x64xf32> -> vector<256x64xf32>
    %dot_general3A_102 = arith.constant dense<0.000000e+00> : vector<256x64xf32>
    %dot_general3A_103 = tpu.matmul %add3A_79, %get3A_95, %dot_general3A_102 {dimension_numbers = #tpu.dot_dimension_numbers<[1], [0], [0], [1], [0, 0, 1, 1], [], []>, transpose_lhs_hint = false} : vector<256x128xf32>, vector<128x64xf32>, vector<256x64xf32> -> vector<256x64xf32>
    %dot_general3A_104 = arith.constant dense<0.000000e+00> : vector<256x64xf32>
    %dot_general3A_105 = tpu.matmul %add3A_89, %get3A_92, %dot_general3A_104 {dimension_numbers = #tpu.dot_dimension_numbers<[1], [0], [0], [1], [0, 0, 1, 1], [], []>, transpose_lhs_hint = false} : vector<256x128xf32>, vector<128x64xf32>, vector<256x64xf32> -> vector<256x64xf32>
    %dot_general3A_106 = arith.constant dense<0.000000e+00> : vector<256x64xf32>
    %dot_general3A_107 = tpu.matmul %add3A_89, %get3A_95, %dot_general3A_106 {dimension_numbers = #tpu.dot_dimension_numbers<[1], [0], [0], [1], [0, 0, 1, 1], [], []>, transpose_lhs_hint = false} : vector<256x128xf32>, vector<128x64xf32>, vector<256x64xf32> -> vector<256x64xf32>
    %get3A_108 = arith.constant 0 : index
    %get3A_109 = arith.constant 0 : index
    %get3A_110 = vector.load %arg18[%get3A_108, %get3A_109] : memref<64x64xf32, #tpu.memory_space<vmem>>, vector<64x64xf32>
    %mul3A = arith.mulf %dot_general3A_97, %dot_general3A_101 : vector<256x64xf32>
    %dot_general3A_111 = arith.constant dense<0.000000e+00> : vector<256x64xf32>
    %dot_general3A_112 = tpu.matmul %mul3A, %get3A_110, %dot_general3A_111 {dimension_numbers = #tpu.dot_dimension_numbers<[1], [0], [0], [1], [0, 0, 1, 1], [], []>, transpose_lhs_hint = false} : vector<256x64xf32>, vector<64x64xf32>, vector<256x64xf32> -> vector<256x64xf32>
    %mul3A_113 = arith.constant 0.707106769 : f32
    %mul3A_114 = vector.broadcast %mul3A_113 : f32 to vector<256x64xf32>
    %mul3A_115 = arith.mulf %dot_general3A_112, %mul3A_114 : vector<256x64xf32>
    %mul3A_116 = arith.mulf %dot_general3A_97, %dot_general3A_103 : vector<256x64xf32>
    %dot_general3A_117 = arith.constant dense<0.000000e+00> : vector<256x64xf32>
    %dot_general3A_118 = tpu.matmul %mul3A_116, %get3A_110, %dot_general3A_117 {dimension_numbers = #tpu.dot_dimension_numbers<[1], [0], [0], [1], [0, 0, 1, 1], [], []>, transpose_lhs_hint = false} : vector<256x64xf32>, vector<64x64xf32>, vector<256x64xf32> -> vector<256x64xf32>
    %mul3A_119 = arith.constant 0.707106769 : f32
    %mul3A_120 = vector.broadcast %mul3A_119 : f32 to vector<256x64xf32>
    %mul3A_121 = arith.mulf %dot_general3A_118, %mul3A_120 : vector<256x64xf32>
    %mul3A_122 = arith.mulf %dot_general3A_99, %dot_general3A_101 : vector<256x64xf32>
    %dot_general3A_123 = arith.constant dense<0.000000e+00> : vector<256x64xf32>
    %dot_general3A_124 = tpu.matmul %mul3A_122, %get3A_110, %dot_general3A_123 {dimension_numbers = #tpu.dot_dimension_numbers<[1], [0], [0], [1], [0, 0, 1, 1], [], []>, transpose_lhs_hint = false} : vector<256x64xf32>, vector<64x64xf32>, vector<256x64xf32> -> vector<256x64xf32>
    %mul3A_125 = arith.constant 0.707106769 : f32
    %mul3A_126 = vector.broadcast %mul3A_125 : f32 to vector<256x64xf32>
    %mul3A_127 = arith.mulf %dot_general3A_124, %mul3A_126 : vector<256x64xf32>
    %mul3A_128 = arith.mulf %dot_general3A_99, %dot_general3A_103 : vector<256x64xf32>
    %dot_general3A_129 = arith.constant dense<0.000000e+00> : vector<256x64xf32>
    %dot_general3A_130 = tpu.matmul %mul3A_128, %get3A_110, %dot_general3A_129 {dimension_numbers = #tpu.dot_dimension_numbers<[1], [0], [0], [1], [0, 0, 1, 1], [], []>, transpose_lhs_hint = false} : vector<256x64xf32>, vector<64x64xf32>, vector<256x64xf32> -> vector<256x64xf32>
    %mul3A_131 = arith.constant 0.707106769 : f32
    %mul3A_132 = vector.broadcast %mul3A_131 : f32 to vector<256x64xf32>
    %mul3A_133 = arith.mulf %dot_general3A_130, %mul3A_132 : vector<256x64xf32>
    %max3A = arith.maximumf %mul3A_115, %mul3A_121 : vector<256x64xf32>
    %sub3A_134 = arith.subf %mul3A_115, %max3A : vector<256x64xf32>
    %exp3A_135 = math.exp %sub3A_134 : vector<256x64xf32>
    %sub3A_136 = arith.subf %mul3A_121, %max3A : vector<256x64xf32>
    %exp3A_137 = math.exp %sub3A_136 : vector<256x64xf32>
    %add3A_138 = arith.addf %exp3A_135, %exp3A_137 : vector<256x64xf32>
    %max3A_139 = arith.maximumf %mul3A_127, %mul3A_133 : vector<256x64xf32>
    %sub3A_140 = arith.subf %mul3A_127, %max3A_139 : vector<256x64xf32>
    %exp3A_141 = math.exp %sub3A_140 : vector<256x64xf32>
    %sub3A_142 = arith.subf %mul3A_133, %max3A_139 : vector<256x64xf32>
    %exp3A_143 = math.exp %sub3A_142 : vector<256x64xf32>
    %add3A_144 = arith.addf %exp3A_141, %exp3A_143 : vector<256x64xf32>
    %div3A_145 = arith.divf %exp3A_135, %add3A_138 : vector<256x64xf32>
    %mul3A_146 = arith.mulf %div3A_145, %dot_general3A_105 : vector<256x64xf32>
    %div3A_147 = arith.divf %exp3A_137, %add3A_138 : vector<256x64xf32>
    %mul3A_148 = arith.mulf %div3A_147, %dot_general3A_107 : vector<256x64xf32>
    %add3A_149 = arith.addf %mul3A_146, %mul3A_148 : vector<256x64xf32>
    %div3A_150 = arith.divf %exp3A_141, %add3A_144 : vector<256x64xf32>
    %mul3A_151 = arith.mulf %div3A_150, %dot_general3A_105 : vector<256x64xf32>
    %div3A_152 = arith.divf %exp3A_143, %add3A_144 : vector<256x64xf32>
    %mul3A_153 = arith.mulf %div3A_152, %dot_general3A_107 : vector<256x64xf32>
    %add3A_154 = arith.addf %mul3A_151, %mul3A_153 : vector<256x64xf32>
    %get3A_155 = arith.constant 0 : index
    %get3A_156 = arith.constant 0 : index
    %get3A_157 = vector.load %arg16[%get3A_155, %get3A_156] : memref<64x128xf32, #tpu.memory_space<vmem>>, vector<64x128xf32>
    %dot_general3A_158 = arith.constant dense<0.000000e+00> : vector<256x128xf32>
    %dot_general3A_159 = tpu.matmul %add3A_149, %get3A_157, %dot_general3A_158 {dimension_numbers = #tpu.dot_dimension_numbers<[1], [0], [0], [1], [0, 0, 1, 1], [], []>, transpose_lhs_hint = false} : vector<256x64xf32>, vector<64x128xf32>, vector<256x128xf32> -> vector<256x128xf32>
    %get3A_160 = arith.constant 0 : index
    %get3A_161 = arith.constant 0 : index
    %get3A_162 = vector.load %arg17[%get3A_160, %get3A_161] : memref<64x128xf32, #tpu.memory_space<vmem>>, vector<64x128xf32>
    %dot_general3A_163 = arith.constant dense<0.000000e+00> : vector<256x128xf32>
    %dot_general3A_164 = tpu.matmul %add3A_154, %get3A_162, %dot_general3A_163 {dimension_numbers = #tpu.dot_dimension_numbers<[1], [0], [0], [1], [0, 0, 1, 1], [], []>, transpose_lhs_hint = false} : vector<256x64xf32>, vector<64x128xf32>, vector<256x128xf32> -> vector<256x128xf32>
    %add3A_165 = arith.addf %dot_general3A_159, %dot_general3A_164 : vector<256x128xf32>
    %get3A_166 = arith.constant 0 : index
    %get3A_167 = arith.constant 0 : index
    %get3A_168 = vector.load %arg12[%get3A_166, %get3A_167] : memref<128x128xf32, #tpu.memory_space<vmem>>, vector<128x128xf32>
    %dot_general3A_169 = arith.constant dense<0.000000e+00> : vector<256x128xf32>
    %dot_general3A_170 = tpu.matmul %add3A_165, %get3A_168, %dot_general3A_169 {dimension_numbers = #tpu.dot_dimension_numbers<[1], [0], [0], [1], [0, 0, 1, 1], [], []>, transpose_lhs_hint = false} : vector<256x128xf32>, vector<128x128xf32>, vector<256x128xf32> -> vector<256x128xf32>
    %get3A_171 = arith.constant 0 : index
    %get3A_172 = arith.constant 0 : index
    %get3A_173 = vector.load %arg13[%get3A_171, %get3A_172] : memref<1x128xf32, #tpu.memory_space<vmem>>, vector<1x128xf32>
    %add3A_174 = vector.broadcast %get3A_173 : vector<1x128xf32> to vector<256x128xf32>
    %add3A_175 = arith.addf %dot_general3A_170, %add3A_174 : vector<256x128xf32>
    %mul3A_176 = arith.mulf %add3A_175, %add3A_49 : vector<256x128xf32>
    %reduce_sum3A = arith.constant dense<0.000000e+00> : vector<256xf32>
    %reduce_sum3A_177 = vector.multi_reduction <add>, %mul3A_176, %reduce_sum3A [1] : vector<256x128xf32> to vector<256xf32>
    %swap3A = arith.constant 0 : index
    %swap3A_178 = vector.load %arg19[%swap3A] : memref<256xf32, #tpu.memory_space<vmem>>, vector<256xf32>
    tpu.vector_store %arg19[%swap3A], %reduce_sum3A_177 {strides = array<i32>} : memref<256xf32, #tpu.memory_space<vmem>>, vector<256xf32>,
    %swap3A_179 = arith.constant 0 : index
    %swap3A_180 = arith.constant 0 : index
    %swap3A_181 = vector.load %arg20[%swap3A_179, %swap3A_180] : memref<256x128xf32, #tpu.memory_space<vmem>>, vector<256x128xf32>
    tpu.vector_store %arg20[%swap3A_179, %swap3A_180], %add3A_49 {strides = array<i32>} : memref<256x128xf32, #tpu.memory_space<vmem>>, vector<256x128xf32>,
    %swap3A_182 = arith.constant 0 : index
    %swap3A_183 = arith.constant 0 : index
    %swap3A_184 = vector.load %arg21[%swap3A_182, %swap3A_183] : memref<256x128xf32, #tpu.memory_space<vmem>>, vector<256x128xf32>
    tpu.vector_store %arg21[%swap3A_182, %swap3A_183], %add3A_9 {strides = array<i32>} : memref<256x128xf32, #tpu.memory_space<vmem>>, vector<256x128xf32>,
    %concatenate3A = tpu.concatenate %broadcast_in_dim3A_14, %broadcast_in_dim3A_30 in 1 : vector<256x1xi32>, vector<256x1xi32> -> vector<256x2xi32>
    %swap3A_185 = arith.constant 0 : index
    %swap3A_186 = arith.constant 0 : index
    %swap3A_187 = vector.load %arg22[%swap3A_185, %swap3A_186] : memref<256x2xi32, #tpu.memory_space<vmem>>, vector<256x2xi32>
    tpu.vector_store %arg22[%swap3A_185, %swap3A_186], %concatenate3A {strides = array<i32>} : memref<256x2xi32, #tpu.memory_space<vmem>>, vector<256x2xi32>,
    return
  }
  func.func @transform_0(%arg0: i32) -> (i32, i32) {
    %c0_i32 = arith.constant 0 : i32
    %c0_i32_0 = arith.constant 0 : i32
    return %arg0, %c0_i32 : i32, i32
  }
  func.func @transform_1(%arg0: i32) -> (i32, i32) {
    %c0_i32 = arith.constant 0 : i32
    %c0_i32_0 = arith.constant 0 : i32
    %c0_i32_1 = arith.constant 0 : i32
    return %c0_i32, %c0_i32_0 : i32, i32
  }
  func.func @transform_2(%arg0: i32) -> (i32, i32) {
    %c0_i32 = arith.constant 0 : i32
    %c0_i32_0 = arith.constant 0 : i32
    %c0_i32_1 = arith.constant 0 : i32
    return %c0_i32, %c0_i32_0 : i32, i32
  }
  func.func @transform_3(%arg0: i32) -> (i32, i32) {
    %c0_i32 = arith.constant 0 : i32
    %c0_i32_0 = arith.constant 0 : i32
    %c0_i32_1 = arith.constant 0 : i32
    return %c0_i32, %c0_i32_0 : i32, i32
  }
  func.func @transform_4(%arg0: i32) -> (i32, i32) {
    %c0_i32 = arith.constant 0 : i32
    %c0_i32_0 = arith.constant 0 : i32
    %c0_i32_1 = arith.constant 0 : i32
    return %c0_i32, %c0_i32_0 : i32, i32
  }
  func.func @transform_5(%arg0: i32) -> (i32, i32) {
    %c0_i32 = arith.constant 0 : i32
    %c0_i32_0 = arith.constant 0 : i32
    %c0_i32_1 = arith.constant 0 : i32
    return %c0_i32, %c0_i32_0 : i32, i32
  }
  func.func @transform_6(%arg0: i32) -> (i32, i32) {
    %c0_i32 = arith.constant 0 : i32
    %c0_i32_0 = arith.constant 0 : i32
    %c0_i32_1 = arith.constant 0 : i32
    return %c0_i32, %c0_i32_0 : i32, i32
  }
  func.func @transform_7(%arg0: i32) -> (i32, i32) {
    %c0_i32 = arith.constant 0 : i32
    %c0_i32_0 = arith.constant 0 : i32
    %c0_i32_1 = arith.constant 0 : i32
    return %c0_i32, %c0_i32_0 : i32, i32
  }
  func.func @transform_8(%arg0: i32) -> (i32, i32) {
    %c0_i32 = arith.constant 0 : i32
    %c0_i32_0 = arith.constant 0 : i32
    %c0_i32_1 = arith.constant 0 : i32
    return %c0_i32, %c0_i32_0 : i32, i32
  }
  func.func @transform_9(%arg0: i32) -> (i32, i32) {
    %c0_i32 = arith.constant 0 : i32
    %c0_i32_0 = arith.constant 0 : i32
    %c0_i32_1 = arith.constant 0 : i32
    return %c0_i32, %c0_i32_0 : i32, i32
  }
  func.func @transform_10(%arg0: i32) -> (i32, i32) {
    %c0_i32 = arith.constant 0 : i32
    %c0_i32_0 = arith.constant 0 : i32
    %c0_i32_1 = arith.constant 0 : i32
    return %c0_i32, %c0_i32_0 : i32, i32
  }
  func.func @transform_11(%arg0: i32) -> (i32, i32) {
    %c0_i32 = arith.constant 0 : i32
    %c0_i32_0 = arith.constant 0 : i32
    %c0_i32_1 = arith.constant 0 : i32
    return %c0_i32, %c0_i32_0 : i32, i32
  }
  func.func @transform_12(%arg0: i32) -> (i32, i32) {
    %c0_i32 = arith.constant 0 : i32
    %c0_i32_0 = arith.constant 0 : i32
    %c0_i32_1 = arith.constant 0 : i32
    return %c0_i32, %c0_i32_0 : i32, i32
  }
  func.func @transform_13(%arg0: i32) -> (i32, i32) {
    %c0_i32 = arith.constant 0 : i32
    %c0_i32_0 = arith.constant 0 : i32
    %c0_i32_1 = arith.constant 0 : i32
    return %c0_i32, %c0_i32_0 : i32, i32
  }
  func.func @transform_14(%arg0: i32) -> (i32, i32) {
    %c0_i32 = arith.constant 0 : i32
    %c0_i32_0 = arith.constant 0 : i32
    %c0_i32_1 = arith.constant 0 : i32
    return %c0_i32, %c0_i32_0 : i32, i32
  }
  func.func @transform_15(%arg0: i32) -> (i32, i32) {
    %c0_i32 = arith.constant 0 : i32
    %c0_i32_0 = arith.constant 0 : i32
    %c0_i32_1 = arith.constant 0 : i32
    return %c0_i32, %c0_i32_0 : i32, i32
  }
  func.func @transform_16(%arg0: i32) -> (i32, i32) {
    %c0_i32 = arith.constant 0 : i32
    %c0_i32_0 = arith.constant 0 : i32
    %c0_i32_1 = arith.constant 0 : i32
    return %c0_i32, %c0_i32_0 : i32, i32
  }
  func.func @transform_17(%arg0: i32) -> (i32, i32) {
    %c0_i32 = arith.constant 0 : i32
    %c0_i32_0 = arith.constant 0 : i32
    %c0_i32_1 = arith.constant 0 : i32
    return %c0_i32, %c0_i32_0 : i32, i32
  }
  func.func @transform_18(%arg0: i32) -> i32 {
    %c0_i32 = arith.constant 0 : i32
    return %arg0 : i32
  }
  func.func @transform_19(%arg0: i32) -> (i32, i32) {
    %c0_i32 = arith.constant 0 : i32
    %c0_i32_0 = arith.constant 0 : i32
    return %arg0, %c0_i32 : i32, i32
  }
  func.func @transform_20(%arg0: i32) -> (i32, i32) {
    %c0_i32 = arith.constant 0 : i32
    %c0_i32_0 = arith.constant 0 : i32
    return %arg0, %c0_i32 : i32, i32
  }
  func.func @transform_21(%arg0: i32) -> (i32, i32) {
    %c0_i32 = arith.constant 0 : i32
    %c0_i32_0 = arith.constant 0 : i32
    return %arg0, %c0_i32 : i32, i32
  }
}

</mosaic_0001>

<sc_bundles>
// kernel: sparse-core-data-format-call.cloned.1.call-start
scs
called_computation_lowered:
.L_overlay_start_0:
0x0: {  	s2 =	sld [smem:$0x3FD9]  }
0x1: {  	s3 =	sld [smem:$0x3FFE];
	_ =	sdelay $0x1  }
0x2: {  	s1 =	srdreg.scid  }
0x3: {  	s0 =	sand.u32 $0x1, s1  }
0x4: {  	s18 =	sshll.u32 s0, $0xA;
	s2 =	sadd.s32 s3, s2  }
0x5: {  	s2 =	sadd.s32 s2, s18  }
0x6: {  	[smem:$0x3FBB] =	sst s2  }
0x7: {  	_ = 	snop  }
0x8: {  	s2 =	sld [smem:$0x3FC9];
	(tm) =	ssettm $0x1  }
0x9: {  	s19 =	sld [smem:$0x3FFB];
	_ =	sdelay $0x3  }
0xa: {  	_ =	strace s19  }
0xb: {  	s3 =	sld [smem:$0x3FFC];
	_ =	sdelay $0x3  }
0xc: {  	_ =	strace s3  }
0xd: {  	s3 =	sld [smem:$0x3FFD];
	_ =	sdelay $0x3  }
0xe: {  	_ =	strace s3  }
0xf: {  	_ =	strace $0x8FFFFFFF  }
0x10: {  	s20 =	sld [smem:$0x3FDB];
	_ =	sdelay $0x1  }
0x11: {  	s4 =	simm.s32 $_scs_section_size  }
0x12: {  	s5 =	simm.s32 $_size__tile_overlayer_lowered;
	s6 =	simm.s32 $_tile_overlayer_lowered  }
0x13: {  	s23 =	simm.s32 $0x1BFF;
	s22 =	sshll.u32 s6, $0x1;
	s3 =	sadd.s32 s4, s20  }
0x14: {  	s7 =	simm.s32 $0x0;
	s21 =	sshll.u32 s5, $0x1;
	s5 =	sadd.s32 s22, s3  }
0x15: {  	[timem:s7], [sflag:s23] =	dma.local [hbm:s5], s21  }
0x16: {  	_ =	swait.ge [sflag:s23], s21  }
0x17: {  	s4 =	ssub.s32 $0x0, s21;
	[sflag:s23] =	ssyncset.done $0x0  }
0x18: {  	[sflag:s23] =	ssyncadd.s32 s4;
	_ =	sdelay $0x1  }
0x19: {  	s24 =	simm.s32 $0x1B8B  }
0x1a: {  	_ =	swait.ge [sflag:s24], $0x1  }
0x1b: {  	[sflag:s24] =	ssyncset.done $0x0  }
0x1c: {  	s26 =	simm.s32 $0x1B8E;
	s25 =	sld [smem:$0x3FFE];
	[sflag:s24] =	ssyncadd.s32 $0xFFFFFFFF  }
0x1d: {  	s27 =	simm.s32 $execute0_lowered;
	[smem:$0x3FD2] =	sst s26  }
0x1e: {  	s5 =	sshll.u32 s27, $0x1;
	_ =	strace $0x80000046;
	[dreg:$0x1] =	wrdreg $0xFFFFFFFF  }
0x1f: {  	s28 =	simm.s32 $_size_execute0_lowered;
	s3 =	sadd.s32 s3, s5;
	[dreg:$0x0] =	wrdreg $0x0  }
0x20: {  	s5 =	sshll.u32 s28, $0x1;
	[dreg:$0x2] =	wrdreg s3  }
0x21: {  	[dreg:$0x3] =	wrdreg s5  }
0x22: {  	[dreg:$0x4] =	wrdreg $0xC0  }
0x23: {  	_ =	task [dreg:s7], $0x5FFFF  }
0x24: {  	[dreg:$0x1] =	wrdreg $0xFFFFFFFF  }
0x25: {  	[dreg:$0x0] =	wrdreg $0x60  }
0x26: {  	[dreg:$0x2] =	wrdreg s2  }
0x27: {  	[dreg:$0x3] =	wrdreg s25  }
0x28: {  	[dreg:$0x4] =	wrdreg $0x9  }
0x29: {  	_ =	task.clear_ibuf [dreg:s7], $0x5FFFF;
	_ =	strace $0x90000046  }
0x2a: {  	s29 =	simm.s32 $0x9;
	_ =	strace $0x80000048  }
0x2b: {  	_ =	swait.ge [sflag:s29], $0x1  }
0x2c: {  	[sflag:s29] =	ssyncadd.s32 $0xFFFFFFFF  }
0x2d: {  	_ =	strace $0x90000048  }
0x2e: {  	_ =	sfence  }
0x2f: {  	s30 =	sld [smem:$0x0];
	_ =	sdelay $0x2  }
0x30: {  	s31 =	sshll.u32 s1, $0xD;
	s1 =	sshrl.u32 s1, $0x2  }
0x31: {  	s3 =	sand.u32 $0x4000, s31;
	s1 =	sadd.s32 s1, s30  }
0x32: {  	s0 =	sor.u32 s3, s0;
	s1 =	sshll.u32 s1, $0x11  }
0x33: {  	s0 =	sor.u32 s1, s0  }
0x34: {  	s0 =	sadd.s32 $0x8F2B, s0  }
0x35: {  	[sflag:s0] =	ssyncadd.remote.s32 $0x1  }
0x36: {  	_ =	sfence.sel $0xFFFF  }
0x37: {  	[dreg:$0x0] =	wrdreg $0xFFFFFFFF;
	(pc) =	sbr.abs _section_cstart, $3  }
0x38: {  	[dreg:$0x1] =	wrdreg $0xFFFFFFFF  }
0x39: {  	_ =	task.clear_ibuf [dreg:s7], $0x2FFFF;
	_ =	strace $0x9FFFFFFF  }
0x3a: {  	(tm) =	ssettm $0x7FFFFFFF  }
0x3b: {  	_ =	shalt  }
tec
execute0_lowered:
.L_overlay_start_1:
0x0: {  	(tag) =	ssettag $0x1  }
0x1: {  	s2 =	rddreg [dreg:$0x0]  }
0x2: {  	s1 =	rddreg [dreg:$0x1]  }
0x3: {  	s0 =	rddreg [dreg:$0x2]  }
0x4: {  	_ =	strace $0x80000047;
	s4 =	srdreg.scid;
	s6 =	simm.s32 $0x2  }
0x5: {  	s11 =	simm.s32 $0x0;
	p0 =	por $0x0, $0x0;
	s7 =	simm.s32 $0x400  }
.Ltmp0:
0x6: {  	s12 =	simm.s32 $0x0;
	s9 =	simm.s32 $0x0;
	(pc) =	sbr.rel .LBB1_1-.Ltmp0, $4  }
0x7: {  	s8 =	simm.s32 $0x0;
	s3 =	sadd.s32 $0x2C00, s1;
	s5 =	sshll.u32 s4, $0x4  }
0x8: {  	s1 =	stileid.u32;
	s4 =	simm.s32 $0x1;
	s5 =	sand.u32 $0x10, s5  }
0x9: {  	s19 =	simm.s32 $0x0;
	[sflag:s4] =	ssyncpa.u1 $0x0;
	s5 =	sor.u32 s1, s5  }
0xa: {  	[sflag:s6] =	ssyncpa.u1 $0x0;
	s6 =	simm.s32 $0x100;
	s10 =	smov.u32 s5  }
.LBB1_7:
0xb: {  	s13 =	sadd.s32 $0x2, s9  }
0xc: {  	s11 =	sadd.s32 $0x20, s10;
	s15 =	smov.u32 s10;
	p2 =	sgt.s32 s13, $0x7  }
0xd: {  	p1 =	slt.u32 s8, $0x2;
	s15 =	smov.u32 @p2 s11  }
0xe: {  	s8 =	sadd.s32 $0x1, s8;
	s13 =	simm.s32 @p2 $0x0;
	p2 =	sgt.s32 s15, $0x1FF  }
0xf: {  	s15 =	smov.u32 @p2 s5;
	p2 =	sne.s32 s8, $0x42  }
.Ltmp1:
0x10: {  	_ = 	snop;
	(pc) =	sbr.rel @!p2 .LBB1_8-.Ltmp1, $4  }
0x11: {  	s14 =	simm.s32 @!p1 $0x2  }
0x12: {  	s12 =	smov.u32 s10;
	_ =	swait.ge @!p1 [sflag:s14], $0x4000  }
0x13: {  	p0 =	por !p0, !p0;
	s11 =	smov.u32 s9;
	[sflag:s14] =	ssyncset.done @!p1 $0x0  }
0x14: {  	s9 =	smov.u32 s13;
	[sflag:s14] =	ssyncadd.s32 @!p1 $0xFFFFC000;
	s10 =	smov.u32 s15  }
.LBB1_1:
0x15: {  	p1 =	sgt.u32 s8, $0x3F  }
0x16: {  	s13 =	sxor.u32 @!p1 $0xFFFFFFFF, s8;
	s14 =	sshll.u32 @!p1 s10, $0xD  }
0x17: {  	s15 =	sshll.u32 @!p1 s9, $0xA;
	s13 =	sshll.u32 @!p1 s13, $0xE;
	s14 =	sadd.s32 @!p1 s2, s14  }
0x18: {  	s13 =	sand.u32 @!p1 $0x4000, s13;
	s14 =	sadd.s32 @!p1 s15, s14;
	s15 =	simm.s32 @!p1 $0x0  }
0x19: {  	[tilespmem:s13], [sflag:$0x1] =	stream.linear.gather @!p1 [hbm4b:s14+s15], $0x4000, $0x38;
	[tilespmem:$0x10000] =	vst v63  }
0x1a: {  	p1 =	seq.s32 s8, $0x0  }
0x1b: {  	p2 =	seq.s32 @!p1 s8, $0x41  }
0x1c: {  	p1 =	por p1, p2  }
.Ltmp2:
0x1d: {  	_ = 	snop;
	(pc) =	sbr.rel @p1 .LBB1_7-.Ltmp2, $1  }
0x1e: {  	_ =	sdelay $0x3  }
0x1f: {  	s13 =	simm.s32 $0x1;
	_ =	swait.ge [sflag:s4], $0x4000  }
0x20: {  	s14 =	sshll.u32 s8, $0xE;
	s16 =	simm.s32 $0x0;
	s13 =	simm.s32 @!p0 $0x0  }
0x21: {  	p2 =	por $0x1, $0x1;
	[sflag:s4] =	ssyncset.done $0x0;
	s13 =	sshll.u32 s13, $0x10  }
0x22: {  	s14 =	sand.u32 $0x4000, s14;
	[sflag:s4] =	ssyncadd.s32 $0xFFFFC000;
	s15 =	sshrl.u32 s13, $0x2  }
0x23: {  	s13 =	sor.u32 $0x8000, s14;
	s14 =	sadd.s32 $0x8040, s15;
	s15 =	sadd.s32 $0x40, s15  }
.LBB1_3:
0x24: {  	s17 =	sshll.u32 s16, $0xD  }
0x25: {  	s17 =	sand.u32 $0x3FFFE000, s17  }
0x26: {  	s17 =	sadd.s32 s17, s15  }
0x27: {  	v0 =	vmov s17;
	_ =	sdelay $0x4  }
0x28: {  	v6 =	vld.idx.msk [tilespmem:v0+s19+$0x30 ss:$0x1], $0xffff  }
0x29: {  	v7 =	vld.idx.msk [tilespmem:v0+s19+$0xFFFFFFC0 ss:$0x1], $0xffff  }
0x2a: {  	v1 =	vld.idx.msk [tilespmem:v0+s19+$0xFFFFFFD0 ss:$0x1], $0xffff  }
0x2b: {  	s31 =	sshll.u32 s16, $0x7;
	v2 =	vld.idx.msk [tilespmem:v0+s19+$0xFFFFFFE0 ss:$0x1], $0xffff  }
0x2c: {  	s16 =	sand.u32 $0x3FFFFF80, s31;
	v3 =	vld.idx.msk [tilespmem:v0+s19+$0xFFFFFFF0 ss:$0x1], $0xffff  }
0x2d: {  	s16 =	sadd.s32 s16, s14;
	v4 =	vld.idx.msk [tilespmem:v0+s19+$0x0 ss:$0x1], $0xffff  }
0x2e: {  	v5 =	vld.idx.msk [tilespmem:v0+s19+$0x10 ss:$0x1], $0xffff;
	[tilespmem:s16+$0x30] =	vst v6  }
0x2f: {  	p1 =	por p2, p2;
	s18 =	simm.s32 $0x400;
	s17 =	simm.s32 $0x80;
	[tilespmem:s16+$0xFFFFFFC0] =	vst v7;
	v6 =	vld.idx.msk [tilespmem:v0+s19+$0x20 ss:$0x1], $0xffff  }
.LBB1_4:
0x30: {  	p2 =	sne.s32 s18, $0x7E00;
	v7 =	vld.idx.msk [tilespmem:v0+s17+$0x30 ss:$0x1], $0xffff;
	[tilespmem:s16+$0xFFFFFFD0] =	vst v1  }
0x31: {  	v8 =	vld.idx.msk [tilespmem:v0+s17+$0xFFFFFFC0 ss:$0x1], $0xffff;
	[tilespmem:s16+$0xFFFFFFE0] =	vst v2  }
0x32: {  	v1 =	vld.idx.msk [tilespmem:v0+s17+$0xFFFFFFD0 ss:$0x1], $0xffff;
	[tilespmem:s16+$0xFFFFFFF0] =	vst v3  }
.Ltmp3:
0x33: {  	v2 =	vld.idx.msk [tilespmem:v0+s17+$0xFFFFFFE0 ss:$0x1], $0xffff;
	[tilespmem:s16+$0x0] =	vst v4;
	(pc) =	sbr.rel @p2 .LBB1_4-.Ltmp3, $4  }
0x34: {  	v3 =	vld.idx.msk [tilespmem:v0+s17+$0xFFFFFFF0 ss:$0x1], $0xffff;
	[tilespmem:s16+$0x10] =	vst v5  }
0x35: {  	v4 =	vld.idx.msk [tilespmem:v0+s17+$0x0 ss:$0x1], $0xffff;
	[tilespmem:s16+$0x20] =	vst v6;
	s16 =	sadd.s32 $0x100, s16  }
0x36: {  	v5 =	vld.idx.msk [tilespmem:v0+s17+$0x10 ss:$0x1], $0xffff;
	[tilespmem:s16+$0x30] =	vst v7  }
0x37: {  	[tilespmem:s16+$0xFFFFFFC0] =	vst v8;
	v6 =	vld.idx.msk [tilespmem:v0+s17+$0x20 ss:$0x1], $0xffff;
	s17 =	sshra.s32 s18, $0x2;
	s18 =	sadd.s32 $0x200, s18  }
0x38: {  	_ =	sdelay $0x2  }
0x39: {  	[tilespmem:s16+$0xFFFFFFD0] =	vst v1  }
0x3a: {  	v56 =	vld.idx.msk [tilespmem:v0+s17+$0x30 ss:$0x1], $0xffff;
	[tilespmem:s16+$0xFFFFFFE0] =	vst v2  }
0x3b: {  	v57 =	vld.idx.msk [tilespmem:v0+s17+$0xFFFFFFC0 ss:$0x1], $0xffff;
	[tilespmem:s16+$0xFFFFFFF0] =	vst v3  }
0x3c: {  	v58 =	vld.idx.msk [tilespmem:v0+s17+$0xFFFFFFD0 ss:$0x1], $0xffff;
	[tilespmem:s16+$0x0] =	vst v4  }
0x3d: {  	v59 =	vld.idx.msk [tilespmem:v0+s17+$0xFFFFFFE0 ss:$0x1], $0xffff;
	[tilespmem:s16+$0x10] =	vst v5  }
0x3e: {  	v60 =	vld.idx.msk [tilespmem:v0+s17+$0xFFFFFFF0 ss:$0x1], $0xffff;
	s31 =	sadd.s32 $0x100, s16;
	[tilespmem:s16+$0x20] =	vst v6  }
0x3f: {  	v61 =	vld.idx.msk [tilespmem:v0+s17+$0x0 ss:$0x1], $0xffff;
	[tilespmem:s31+$0x30] =	vst v56  }
0x40: {  	v62 =	vld.idx.msk [tilespmem:v0+s17+$0x10 ss:$0x1], $0xffff;
	[tilespmem:s31+$0xFFFFFFC0] =	vst v57  }
0x41: {  	v63 =	vld.idx.msk [tilespmem:v0+s17+$0x20 ss:$0x1], $0xffff;
	[tilespmem:s31+$0xFFFFFFD0] =	vst v58  }
.Ltmp4:
0x42: {  	[tilespmem:s31+$0xFFFFFFE0] =	vst v59;
	(pc) =	sbr.rel @p1 .LBB1_3-.Ltmp4, $4  }
0x43: {  	[tilespmem:s31+$0xFFFFFFF0] =	vst v60  }
0x44: {  	[tilespmem:s31+$0x0] =	vst v61  }
0x45: {  	[tilespmem:s31+$0x10] =	vst v62  }
0x46: {  	p2 =	por $0x0, $0x0;
	s16 =	simm.s32 $0x1;
	[tilespmem:s31+$0x20] =	vst v63  }
.Ltmp5:
0x47: {  	(pc) =	sbr.rel .LBB1_7-.Ltmp5, $4  }
0x48: {  	s12 =	sshll.u32 s12, $0xD;
	s11 =	sshll.u32 s11, $0x4  }
0x49: {  	s11 =	sand.u32 $0x70, s11;
	s12 =	sadd.s32 s3, s12  }
0x4a: {  	s11 =	sadd.s32 s11, s12  }
0x4b: {  	[hbm4b:s11+s6] =	stream.strided.scatter [tilespmem:s13], [sflag:$0x2], $0x4000, s7, s6, $0x38;
	[tilespmem:$0x10000] =	vst v63  }
.LBB1_8:
0x4c: {  	_ =	sfence.sel $0x180000  }
0x4d: {  	s2 =	simm.s32 $0x1;
	[bflag:$0x0] =	sbarrier.arrive $0xFFFF  }
0x4e: {  	s31 =	simm.s32 $0x2;
	[sflag:s2] =	ssyncpa.u1 $0x1  }
0x4f: {  	[sflag:s31] =	ssyncpa.u1 $0x1  }
0x50: {  	p0 =	sne.s32 s1, $0x0;
	_ =	strace $0x90000047  }
0x51: {  	s0 =	sadd.s32 @!p0 $0x100000, s0;
	[bflag:$0x2] =	sbarrier.arrive $0xFFFF  }
0x52: {  	[sflag:s0] =	ssyncadd.tile.s32 @!p0 $0x1;
	_ =	shalt  }
.Lfunc_end1:
_tile_overlayer_lowered:
.L_overlay_start_2:
0x53: {  	(tag) =	ssettag $0x2  }
0x54: {  	s0 =	rddreg [dreg:$0x0];
	s2 =	stileid.u32  }
0x55: {  	s1 =	rddreg [dreg:$0x1];
	p0 =	sne.s32 s2, $0x0  }
0x56: {  	s3 =	rddreg [dreg:$0x2];
	[bflag:$0x3] =	sbarrier.arrive $0xFFFF;
	s2 =	simm.s32 @!p0 $0x1C01  }
0x57: {  	[timem:s3], [sflag:s2] =	dma.local @!p0 [hbm:s0], s1  }
0x58: {  	s0 =	simm.s32 @!p0 $0x1  }
0x59: {  	_ =	swait.ge @!p0 [sflag:s0], s1  }
0x5a: {  	s1 =	ssub.s32 @!p0 $0x0, s1;
	[sflag:s0] =	ssyncset.done @!p0 $0x0  }
0x5b: {  	[sflag:s0] =	ssyncadd.s32 @!p0 s1  }
0x5c: {  	[bflag:$0x3] =	sbarrier.arrive $0xFFFF  }
0x5d: {  	_ =	shalt  }

</sc_bundles>
